<compile_context>
chip_gen: v7x
topology: tpu7x:2x2x1
jax: 0.10.2.dev20260603
libtpu: 0.0.44.dev20260713+nightly
codegen_flags: <defaults>
</compile_context>

<pallas_src>
import functools

import jax
import jax.numpy as jnp
from jax import lax
from jax.experimental import pallas as pl
from jax.experimental.pallas import tpu as pltpu
from jax.experimental.pallas import tpu_sc as plsc

VDIM = 256
HALF = 128
NEXP = 16
BATCH = 1024
TOK = 2
OUT_DIM = 256
NTOK = BATCH * TOK
NC, NS = 2, 16
NW = NC * NS
TOK_PER_W = NTOK // NW


@functools.cache
def _make_gather():
    mesh = plsc.VectorSubcoreMesh(core_axis_name="c", subcore_axis_name="s")

    @functools.partial(
        pl.kernel,
        out_type=jax.ShapeDtypeStruct((NTOK, VDIM), jnp.float32),
        mesh=mesh,
        scratch_types=[
            pltpu.VMEM((TOK_PER_W,), jnp.int32),
            pltpu.VMEM((TOK_PER_W // 2, VDIM), jnp.float32),
            pltpu.VMEM((TOK_PER_W // 2, VDIM), jnp.float32),
            pltpu.SemaphoreType.DMA,
            pltpu.SemaphoreType.DMA,
        ],
    )
    def gather_rows(idx_hbm, table_hbm, out_hbm,
                    idx_v, rows0_v, rows1_v, gsem, wsem):
        wid = lax.axis_index("s") * NC + lax.axis_index("c")
        base = wid * TOK_PER_W
        half_w = TOK_PER_W // 2
        pltpu.sync_copy(idx_hbm.at[pl.ds(base, TOK_PER_W)], idx_v)
        cp0 = pltpu.async_copy(
            table_hbm.at[idx_v.at[pl.ds(0, half_w)]], rows0_v, gsem)
        cp1 = pltpu.async_copy(
            table_hbm.at[idx_v.at[pl.ds(half_w, half_w)]], rows1_v, gsem)
        cp0.wait()
        w0 = pltpu.async_copy(rows0_v, out_hbm.at[pl.ds(base, half_w)], wsem)
        cp1.wait()
        w1 = pltpu.async_copy(
            rows1_v, out_hbm.at[pl.ds(base + half_w, half_w)], wsem)
        w0.wait()
        w1.wait()

    return gather_rows


def _combine_body(cond_ref, v_ref, m_ref, w_ref, out_ref):
    off = pl.multiple_of(cond_ref[0, 0] * HALF, HALF)
    v0h = v_ref[:BATCH, pl.ds(off, HALF)]
    v1h = v_ref[BATCH:, pl.ds(off, HALF)]
    wh = w_ref[:, pl.ds(off, HALF), :].reshape(NEXP * HALF, OUT_DIM)
    blocks = [
        v0h * m_ref[:, e:e + 1] + v1h * m_ref[:, NEXP + e:NEXP + e + 1]
        for e in range(NEXP)
    ]
    a = jnp.concatenate(blocks, axis=1)
    out_ref[...] = jnp.dot(a, wh, preferred_element_type=jnp.float32)


_combine = pl.pallas_call(
    _combine_body,
    out_shape=jax.ShapeDtypeStruct((BATCH, OUT_DIM), jnp.float32),
    in_specs=[
        pl.BlockSpec(memory_space=pltpu.SMEM),
        pl.BlockSpec(),
        pl.BlockSpec(),
        pl.BlockSpec(),
    ],
)


def kernel(indices, scores, W, label, index, weight):
    idx_flat = indices.T.reshape(-1).astype(jnp.int32)
    rows = _make_gather()(idx_flat, weight)
    cond = (jnp.asarray(index) == 1).astype(jnp.int32).reshape(1, 1)
    onehot = (label[:, :, None] == jnp.arange(NEXP, dtype=label.dtype)).astype(
        jnp.float32)
    m = (scores[:, :, None] * onehot).reshape(BATCH, TOK * NEXP)
    return _combine(cond, rows, m, W)

# --- scband reference (transcript-rebuilt; emitter-appended) ---
"""Pipeline reference for scband-valueblock-37623913513624 (READ-ONLY COPY).

The authoritative reference and input builder live on the scoring server;
editing this copy changes nothing except your own understanding.
"""

import jax, jax.numpy as jnp
import numpy as np

VALUE_DIM = 256
VALUE_SIZE = 100000
N_EXPERTS = 16
OUT_DIM = 256
B = 1024
T = 2


def setup_inputs(seed: int = 0) -> dict:
    key = jax.random.key(seed)
    k1, k2, k3, k4, k5 = jax.random.split(key, 5)
    indices = jax.random.randint(k1, (B, T), 0, VALUE_SIZE)
    scores = jax.random.uniform(k2, (B, T), dtype=jnp.float32)
    W = jax.random.normal(k3, (N_EXPERTS, VALUE_DIM, OUT_DIM), dtype=jnp.float32)
    label = jax.random.randint(k4, (B, T), 0, N_EXPERTS)
    weight = jax.random.normal(k5, (VALUE_SIZE, VALUE_DIM), dtype=jnp.float32)
    return {"indices": indices, "scores": scores, "W": W, "label": label, "index": 1, "weight": weight}


def reference(indices, scores, W, label, index, weight):
    half = VALUE_DIM // 2
    cond = jnp.asarray(index) == 1
    w = jnp.where(cond, weight[..., half:], weight[..., :half])
    Wp = jnp.where(cond, W[..., half:, :], W[..., :half, :])
    b, t = indices.shape
    # gather selected value vectors from the value table
    selected_values = jnp.take(w, indices.reshape(-1), axis=0).reshape(b, t, half)
    # gather per-token expert parameter matrices: [b, t, half, out_dim]
    expanded_params = jnp.take(Wp, label, axis=0)
    output = jnp.einsum('bkd,bkdl,bk->bkl', selected_values, expanded_params, scores)
    output = jnp.sum(output, axis=-2)
    return output

if __name__ == "__main__":
    import jax
    _d = setup_inputs()
    print(jax.jit(kernel)(*tuple(_d.values())))

</pallas_src>

<mosaic_0001>
#map = affine_map<(d0, d1) -> (0)>
#map1 = affine_map<(d0, d1) -> (0, 0)>
module attributes {stable_mosaic.version = 14 : i64} {
  func.func @gather_rows(%arg0: i32, %arg1: i32, %arg2: memref<2048xi32, #tpu.memory_space<hbm>>, %arg3: memref<100000x256xf32, #tpu.memory_space<hbm>>, %arg4: memref<2048x256xf32, #tpu.memory_space<hbm>>, %arg5: memref<64xi32, #tpu.memory_space<vmem>>, %arg6: memref<32x256xf32, #tpu.memory_space<vmem>>, %arg7: memref<32x256xf32, #tpu.memory_space<vmem>>, %arg8: memref<!tpu.dma_semaphore, #tpu.memory_space<semaphore_mem>>, %arg9: memref<!tpu.dma_semaphore, #tpu.memory_space<semaphore_mem>>) attributes {dimension_semantics = [#tpu.dimension_semantics<core_parallel>, #tpu.dimension_semantics<subcore_parallel>], iteration_bounds = array<i64: 2, 16>, scalar_prefetch = 0 : i64, scratch_operands = 5 : i64, tpu.core_type = #tpu.core_type<sc_vector_subcore>, window_params = [{transform_indices = #map}, {transform_indices = #map1}, {transform_indices = #map1}]} {
    %mul3A = arith.constant 2 : i32
    %mul3A_0 = arith.muli %arg1, %mul3A : i32
    %add3A = arith.addi %mul3A_0, %arg0 : i32
    %mul3A_1 = arith.constant 64 : i32
    %mul3A_2 = arith.muli %add3A, %mul3A_1 : i32
    "tpu.region"() ({
      %run_scoped3A = tpu.sem_alloc : memref<!tpu.dma_semaphore, #tpu.memory_space<semaphore_mem>>
      %dma_start3A_39 = tpu.memref_slice %arg2[%mul3A_2] : memref<2048xi32, #tpu.memory_space<hbm>> -> memref<64xi32, #tpu.memory_space<hbm>>
      %dma_start3A_40 = tpu.memref_slice %arg2[%mul3A_2] : memref<2048xi32, #tpu.memory_space<hbm>> -> memref<64xi32, #tpu.memory_space<hbm>>
      tpu.enqueue_dma source(%dma_start3A_40 : memref<64xi32, #tpu.memory_space<hbm>>) target(%arg5 : memref<64xi32, #tpu.memory_space<vmem>>) target_semaphore(%run_scoped3A : memref<!tpu.dma_semaphore, #tpu.memory_space<semaphore_mem>>)
      %dma_wait3A_41 = tpu.memref_slice %arg2[%mul3A_2] : memref<2048xi32, #tpu.memory_space<hbm>> -> memref<64xi32, #tpu.memory_space<hbm>>
      %dma_wait3A_42 = tpu.memref_slice %arg2[%mul3A_2] : memref<2048xi32, #tpu.memory_space<hbm>> -> memref<64xi32, #tpu.memory_space<hbm>>
      tpu.wait_dma2 semaphore(%run_scoped3A : memref<!tpu.dma_semaphore, #tpu.memory_space<semaphore_mem>>) src(%dma_wait3A_42 : memref<64xi32, #tpu.memory_space<hbm>>) dst(%arg5 : memref<64xi32, #tpu.memory_space<vmem>>)
      tpu.yield
    }) : () -> ()
    %dma_start3A = arith.constant 0 : i32
    %dma_start3A_3 = tpu.memref_slice %arg5[%dma_start3A] : memref<64xi32, #tpu.memory_space<vmem>> -> memref<32xi32, #tpu.memory_space<vmem>>
    %dma_start3A_4 = arith.constant 0 : i32
    %dma_start3A_5 = arith.constant 0 : i32
    %dma_start3A_6 = tpu.memref_slice %arg3[%dma_start3A_4, %dma_start3A_5] : memref<100000x256xf32, #tpu.memory_space<hbm>> -> memref<100000x256xf32, #tpu.memory_space<hbm>>
    tpu.enqueue_indirect_dma source(%dma_start3A_6 : memref<100000x256xf32, #tpu.memory_space<hbm>>) target(%arg6 : memref<32x256xf32, #tpu.memory_space<vmem>>) offsets(%dma_start3A_3 : memref<32xi32, #tpu.memory_space<vmem>>) semaphore(%arg8 : memref<!tpu.dma_semaphore, #tpu.memory_space<semaphore_mem>>)
    %dma_start3A_7 = arith.constant 32 : i32
    %dma_start3A_8 = tpu.memref_slice %arg5[%dma_start3A_7] : memref<64xi32, #tpu.memory_space<vmem>> -> memref<32xi32, #tpu.memory_space<vmem>>
    %dma_start3A_9 = arith.constant 0 : i32
    %dma_start3A_10 = arith.constant 0 : i32
    %dma_start3A_11 = tpu.memref_slice %arg3[%dma_start3A_9, %dma_start3A_10] : memref<100000x256xf32, #tpu.memory_space<hbm>> -> memref<100000x256xf32, #tpu.memory_space<hbm>>
    tpu.enqueue_indirect_dma source(%dma_start3A_11 : memref<100000x256xf32, #tpu.memory_space<hbm>>) target(%arg7 : memref<32x256xf32, #tpu.memory_space<vmem>>) offsets(%dma_start3A_8 : memref<32xi32, #tpu.memory_space<vmem>>) semaphore(%arg8 : memref<!tpu.dma_semaphore, #tpu.memory_space<semaphore_mem>>)
    %dma_wait3A = arith.constant 0 : i32
    %dma_wait3A_12 = tpu.memref_slice %arg5[%dma_wait3A] : memref<64xi32, #tpu.memory_space<vmem>> -> memref<32xi32, #tpu.memory_space<vmem>>
    %dma_wait3A_13 = arith.constant 0 : i32
    %dma_wait3A_14 = arith.constant 0 : i32
    %dma_wait3A_15 = tpu.memref_slice %arg3[%dma_wait3A_13, %dma_wait3A_14] : memref<100000x256xf32, #tpu.memory_space<hbm>> -> memref<100000x256xf32, #tpu.memory_space<hbm>>
    tpu.wait_indirect_dma semaphore(%arg8 : memref<!tpu.dma_semaphore, #tpu.memory_space<semaphore_mem>>) src(%dma_wait3A_15 : memref<100000x256xf32, #tpu.memory_space<hbm>>) dst(%arg6 : memref<32x256xf32, #tpu.memory_space<vmem>>)
    %dma_start3A_16 = arith.constant 0 : i32
    %dma_start3A_17 = tpu.memref_slice %arg4[%mul3A_2, %dma_start3A_16] : memref<2048x256xf32, #tpu.memory_space<hbm>> -> memref<32x256xf32, #tpu.memory_space<hbm>>
    %dma_start3A_18 = arith.constant 0 : i32
    %dma_start3A_19 = tpu.memref_slice %arg4[%mul3A_2, %dma_start3A_18] : memref<2048x256xf32, #tpu.memory_space<hbm>> -> memref<32x256xf32, #tpu.memory_space<hbm>>
    tpu.enqueue_dma source(%arg6 : memref<32x256xf32, #tpu.memory_space<vmem>>) target(%dma_start3A_19 : memref<32x256xf32, #tpu.memory_space<hbm>>) target_semaphore(%arg9 : memref<!tpu.dma_semaphore, #tpu.memory_space<semaphore_mem>>)
    %dma_wait3A_20 = arith.constant 32 : i32
    %dma_wait3A_21 = tpu.memref_slice %arg5[%dma_wait3A_20] : memref<64xi32, #tpu.memory_space<vmem>> -> memref<32xi32, #tpu.memory_space<vmem>>
    %dma_wait3A_22 = arith.constant 0 : i32
    %dma_wait3A_23 = arith.constant 0 : i32
    %dma_wait3A_24 = tpu.memref_slice %arg3[%dma_wait3A_22, %dma_wait3A_23] : memref<100000x256xf32, #tpu.memory_space<hbm>> -> memref<100000x256xf32, #tpu.memory_space<hbm>>
    tpu.wait_indirect_dma semaphore(%arg8 : memref<!tpu.dma_semaphore, #tpu.memory_space<semaphore_mem>>) src(%dma_wait3A_24 : memref<100000x256xf32, #tpu.memory_space<hbm>>) dst(%arg7 : memref<32x256xf32, #tpu.memory_space<vmem>>)
    %add3A_25 = arith.constant 32 : i32
    %add3A_26 = arith.addi %mul3A_2, %add3A_25 : i32
    %dma_start3A_27 = arith.constant 0 : i32
    %dma_start3A_28 = tpu.memref_slice %arg4[%add3A_26, %dma_start3A_27] : memref<2048x256xf32, #tpu.memory_space<hbm>> -> memref<32x256xf32, #tpu.memory_space<hbm>>
    %dma_start3A_29 = arith.constant 0 : i32
    %dma_start3A_30 = tpu.memref_slice %arg4[%add3A_26, %dma_start3A_29] : memref<2048x256xf32, #tpu.memory_space<hbm>> -> memref<32x256xf32, #tpu.memory_space<hbm>>
    tpu.enqueue_dma source(%arg7 : memref<32x256xf32, #tpu.memory_space<vmem>>) target(%dma_start3A_30 : memref<32x256xf32, #tpu.memory_space<hbm>>) target_semaphore(%arg9 : memref<!tpu.dma_semaphore, #tpu.memory_space<semaphore_mem>>)
    %dma_wait3A_31 = arith.constant 0 : i32
    %dma_wait3A_32 = tpu.memref_slice %arg4[%mul3A_2, %dma_wait3A_31] : memref<2048x256xf32, #tpu.memory_space<hbm>> -> memref<32x256xf32, #tpu.memory_space<hbm>>
    %dma_wait3A_33 = arith.constant 0 : i32
    %dma_wait3A_34 = tpu.memref_slice %arg4[%mul3A_2, %dma_wait3A_33] : memref<2048x256xf32, #tpu.memory_space<hbm>> -> memref<32x256xf32, #tpu.memory_space<hbm>>
    tpu.wait_dma2 semaphore(%arg9 : memref<!tpu.dma_semaphore, #tpu.memory_space<semaphore_mem>>) src(%arg6 : memref<32x256xf32, #tpu.memory_space<vmem>>) dst(%dma_wait3A_34 : memref<32x256xf32, #tpu.memory_space<hbm>>)
    %dma_wait3A_35 = arith.constant 0 : i32
    %dma_wait3A_36 = tpu.memref_slice %arg4[%add3A_26, %dma_wait3A_35] : memref<2048x256xf32, #tpu.memory_space<hbm>> -> memref<32x256xf32, #tpu.memory_space<hbm>>
    %dma_wait3A_37 = arith.constant 0 : i32
    %dma_wait3A_38 = tpu.memref_slice %arg4[%add3A_26, %dma_wait3A_37] : memref<2048x256xf32, #tpu.memory_space<hbm>> -> memref<32x256xf32, #tpu.memory_space<hbm>>
    tpu.wait_dma2 semaphore(%arg9 : memref<!tpu.dma_semaphore, #tpu.memory_space<semaphore_mem>>) src(%arg7 : memref<32x256xf32, #tpu.memory_space<vmem>>) dst(%dma_wait3A_38 : memref<32x256xf32, #tpu.memory_space<hbm>>)
    return
  }
}

module attributes {stable_mosaic.version = 14 : i64} {
  func.func @_combine_body(%arg0: memref<1x1xi32, #tpu.memory_space<smem>>, %arg1: memref<2048x256xf32, #tpu.memory_space<vmem>>, %arg2: memref<1024x32xf32, #tpu.memory_space<vmem>>, %arg3: memref<16x256x256xf32, #tpu.memory_space<vmem>>, %arg4: memref<1024x256xf32, #tpu.memory_space<vmem>>) attributes {dimension_semantics = [], scalar_prefetch = 0 : i64, scratch_operands = 0 : i64, tpu.core_type = #tpu.core_type<tc>} {
    %get3A = arith.constant 0 : index
    %get3A_0 = arith.constant 0 : index
    %get3A_1 = memref.load %arg0[%get3A, %get3A_0] : memref<1x1xi32, #tpu.memory_space<smem>>
    %mul3A = arith.constant 128 : i32
    %mul3A_2 = arith.muli %get3A_1, %mul3A : i32
    %multiple_of3A = tpu.assume_multiple %mul3A_2, 128 : i32
    %get3A_3 = arith.constant 0 : index
    %get3A_4 = arith.index_cast %multiple_of3A : i32 to index
    %get3A_5 = vector.load %arg1[%get3A_3, %get3A_4] : memref<2048x256xf32, #tpu.memory_space<vmem>>, vector<1024x128xf32>
    %get3A_6 = arith.constant 1024 : index
    %get3A_7 = arith.index_cast %multiple_of3A : i32 to index
    %get3A_8 = vector.load %arg1[%get3A_6, %get3A_7] : memref<2048x256xf32, #tpu.memory_space<vmem>>, vector<1024x128xf32>
    %get3A_9 = arith.constant 0 : index
    %get3A_10 = arith.index_cast %multiple_of3A : i32 to index
    %get3A_11 = arith.constant 0 : index
    %get3A_12 = vector.load %arg3[%get3A_9, %get3A_10, %get3A_11] : memref<16x256x256xf32, #tpu.memory_space<vmem>>, vector<16x128x256xf32>
    %reshape3A = vector.shape_cast %get3A_12 : vector<16x128x256xf32> to vector<2048x256xf32>
    %get3A_13 = arith.constant 0 : index
    %get3A_14 = arith.constant 0 : index
    %get3A_15 = vector.load %arg2[%get3A_13, %get3A_14] : memref<1024x32xf32, #tpu.memory_space<vmem>>, vector<1024x1xf32>
    %mul3A_16 = vector.broadcast %get3A_15 : vector<1024x1xf32> to vector<1024x128xf32>
    %mul3A_17 = arith.mulf %get3A_5, %mul3A_16 : vector<1024x128xf32>
    %get3A_18 = arith.constant 0 : index
    %get3A_19 = arith.constant 16 : index
    %get3A_20 = vector.load %arg2[%get3A_18, %get3A_19] : memref<1024x32xf32, #tpu.memory_space<vmem>>, vector<1024x1xf32>
    %mul3A_21 = vector.broadcast %get3A_20 : vector<1024x1xf32> to vector<1024x128xf32>
    %mul3A_22 = arith.mulf %get3A_8, %mul3A_21 : vector<1024x128xf32>
    %add3A = arith.addf %mul3A_17, %mul3A_22 : vector<1024x128xf32>
    %get3A_23 = arith.constant 0 : index
    %get3A_24 = arith.constant 1 : index
    %get3A_25 = vector.load %arg2[%get3A_23, %get3A_24] : memref<1024x32xf32, #tpu.memory_space<vmem>>, vector<1024x1xf32>
    %mul3A_26 = vector.broadcast %get3A_25 : vector<1024x1xf32> to vector<1024x128xf32>
    %mul3A_27 = arith.mulf %get3A_5, %mul3A_26 : vector<1024x128xf32>
    %get3A_28 = arith.constant 0 : index
    %get3A_29 = arith.constant 17 : index
    %get3A_30 = vector.load %arg2[%get3A_28, %get3A_29] : memref<1024x32xf32, #tpu.memory_space<vmem>>, vector<1024x1xf32>
    %mul3A_31 = vector.broadcast %get3A_30 : vector<1024x1xf32> to vector<1024x128xf32>
    %mul3A_32 = arith.mulf %get3A_8, %mul3A_31 : vector<1024x128xf32>
    %add3A_33 = arith.addf %mul3A_27, %mul3A_32 : vector<1024x128xf32>
    %get3A_34 = arith.constant 0 : index
    %get3A_35 = arith.constant 2 : index
    %get3A_36 = vector.load %arg2[%get3A_34, %get3A_35] : memref<1024x32xf32, #tpu.memory_space<vmem>>, vector<1024x1xf32>
    %mul3A_37 = vector.broadcast %get3A_36 : vector<1024x1xf32> to vector<1024x128xf32>
    %mul3A_38 = arith.mulf %get3A_5, %mul3A_37 : vector<1024x128xf32>
    %get3A_39 = arith.constant 0 : index
    %get3A_40 = arith.constant 18 : index
    %get3A_41 = vector.load %arg2[%get3A_39, %get3A_40] : memref<1024x32xf32, #tpu.memory_space<vmem>>, vector<1024x1xf32>
    %mul3A_42 = vector.broadcast %get3A_41 : vector<1024x1xf32> to vector<1024x128xf32>
    %mul3A_43 = arith.mulf %get3A_8, %mul3A_42 : vector<1024x128xf32>
    %add3A_44 = arith.addf %mul3A_38, %mul3A_43 : vector<1024x128xf32>
    %get3A_45 = arith.constant 0 : index
    %get3A_46 = arith.constant 3 : index
    %get3A_47 = vector.load %arg2[%get3A_45, %get3A_46] : memref<1024x32xf32, #tpu.memory_space<vmem>>, vector<1024x1xf32>
    %mul3A_48 = vector.broadcast %get3A_47 : vector<1024x1xf32> to vector<1024x128xf32>
    %mul3A_49 = arith.mulf %get3A_5, %mul3A_48 : vector<1024x128xf32>
    %get3A_50 = arith.constant 0 : index
    %get3A_51 = arith.constant 19 : index
    %get3A_52 = vector.load %arg2[%get3A_50, %get3A_51] : memref<1024x32xf32, #tpu.memory_space<vmem>>, vector<1024x1xf32>
    %mul3A_53 = vector.broadcast %get3A_52 : vector<1024x1xf32> to vector<1024x128xf32>
    %mul3A_54 = arith.mulf %get3A_8, %mul3A_53 : vector<1024x128xf32>
    %add3A_55 = arith.addf %mul3A_49, %mul3A_54 : vector<1024x128xf32>
    %get3A_56 = arith.constant 0 : index
    %get3A_57 = arith.constant 4 : index
    %get3A_58 = vector.load %arg2[%get3A_56, %get3A_57] : memref<1024x32xf32, #tpu.memory_space<vmem>>, vector<1024x1xf32>
    %mul3A_59 = vector.broadcast %get3A_58 : vector<1024x1xf32> to vector<1024x128xf32>
    %mul3A_60 = arith.mulf %get3A_5, %mul3A_59 : vector<1024x128xf32>
    %get3A_61 = arith.constant 0 : index
    %get3A_62 = arith.constant 20 : index
    %get3A_63 = vector.load %arg2[%get3A_61, %get3A_62] : memref<1024x32xf32, #tpu.memory_space<vmem>>, vector<1024x1xf32>
    %mul3A_64 = vector.broadcast %get3A_63 : vector<1024x1xf32> to vector<1024x128xf32>
    %mul3A_65 = arith.mulf %get3A_8, %mul3A_64 : vector<1024x128xf32>
    %add3A_66 = arith.addf %mul3A_60, %mul3A_65 : vector<1024x128xf32>
    %get3A_67 = arith.constant 0 : index
    %get3A_68 = arith.constant 5 : index
    %get3A_69 = vector.load %arg2[%get3A_67, %get3A_68] : memref<1024x32xf32, #tpu.memory_space<vmem>>, vector<1024x1xf32>
    %mul3A_70 = vector.broadcast %get3A_69 : vector<1024x1xf32> to vector<1024x128xf32>
    %mul3A_71 = arith.mulf %get3A_5, %mul3A_70 : vector<1024x128xf32>
    %get3A_72 = arith.constant 0 : index
    %get3A_73 = arith.constant 21 : index
    %get3A_74 = vector.load %arg2[%get3A_72, %get3A_73] : memref<1024x32xf32, #tpu.memory_space<vmem>>, vector<1024x1xf32>
    %mul3A_75 = vector.broadcast %get3A_74 : vector<1024x1xf32> to vector<1024x128xf32>
    %mul3A_76 = arith.mulf %get3A_8, %mul3A_75 : vector<1024x128xf32>
    %add3A_77 = arith.addf %mul3A_71, %mul3A_76 : vector<1024x128xf32>
    %get3A_78 = arith.constant 0 : index
    %get3A_79 = arith.constant 6 : index
    %get3A_80 = vector.load %arg2[%get3A_78, %get3A_79] : memref<1024x32xf32, #tpu.memory_space<vmem>>, vector<1024x1xf32>
    %mul3A_81 = vector.broadcast %get3A_80 : vector<1024x1xf32> to vector<1024x128xf32>
    %mul3A_82 = arith.mulf %get3A_5, %mul3A_81 : vector<1024x128xf32>
    %get3A_83 = arith.constant 0 : index
    %get3A_84 = arith.constant 22 : index
    %get3A_85 = vector.load %arg2[%get3A_83, %get3A_84] : memref<1024x32xf32, #tpu.memory_space<vmem>>, vector<1024x1xf32>
    %mul3A_86 = vector.broadcast %get3A_85 : vector<1024x1xf32> to vector<1024x128xf32>
    %mul3A_87 = arith.mulf %get3A_8, %mul3A_86 : vector<1024x128xf32>
    %add3A_88 = arith.addf %mul3A_82, %mul3A_87 : vector<1024x128xf32>
    %get3A_89 = arith.constant 0 : index
    %get3A_90 = arith.constant 7 : index
    %get3A_91 = vector.load %arg2[%get3A_89, %get3A_90] : memref<1024x32xf32, #tpu.memory_space<vmem>>, vector<1024x1xf32>
    %mul3A_92 = vector.broadcast %get3A_91 : vector<1024x1xf32> to vector<1024x128xf32>
    %mul3A_93 = arith.mulf %get3A_5, %mul3A_92 : vector<1024x128xf32>
    %get3A_94 = arith.constant 0 : index
    %get3A_95 = arith.constant 23 : index
    %get3A_96 = vector.load %arg2[%get3A_94, %get3A_95] : memref<1024x32xf32, #tpu.memory_space<vmem>>, vector<1024x1xf32>
    %mul3A_97 = vector.broadcast %get3A_96 : vector<1024x1xf32> to vector<1024x128xf32>
    %mul3A_98 = arith.mulf %get3A_8, %mul3A_97 : vector<1024x128xf32>
    %add3A_99 = arith.addf %mul3A_93, %mul3A_98 : vector<1024x128xf32>
    %get3A_100 = arith.constant 0 : index
    %get3A_101 = arith.constant 8 : index
    %get3A_102 = vector.load %arg2[%get3A_100, %get3A_101] : memref<1024x32xf32, #tpu.memory_space<vmem>>, vector<1024x1xf32>
    %mul3A_103 = vector.broadcast %get3A_102 : vector<1024x1xf32> to vector<1024x128xf32>
    %mul3A_104 = arith.mulf %get3A_5, %mul3A_103 : vector<1024x128xf32>
    %get3A_105 = arith.constant 0 : index
    %get3A_106 = arith.constant 24 : index
    %get3A_107 = vector.load %arg2[%get3A_105, %get3A_106] : memref<1024x32xf32, #tpu.memory_space<vmem>>, vector<1024x1xf32>
    %mul3A_108 = vector.broadcast %get3A_107 : vector<1024x1xf32> to vector<1024x128xf32>
    %mul3A_109 = arith.mulf %get3A_8, %mul3A_108 : vector<1024x128xf32>
    %add3A_110 = arith.addf %mul3A_104, %mul3A_109 : vector<1024x128xf32>
    %get3A_111 = arith.constant 0 : index
    %get3A_112 = arith.constant 9 : index
    %get3A_113 = vector.load %arg2[%get3A_111, %get3A_112] : memref<1024x32xf32, #tpu.memory_space<vmem>>, vector<1024x1xf32>
    %mul3A_114 = vector.broadcast %get3A_113 : vector<1024x1xf32> to vector<1024x128xf32>
    %mul3A_115 = arith.mulf %get3A_5, %mul3A_114 : vector<1024x128xf32>
    %get3A_116 = arith.constant 0 : index
    %get3A_117 = arith.constant 25 : index
    %get3A_118 = vector.load %arg2[%get3A_116, %get3A_117] : memref<1024x32xf32, #tpu.memory_space<vmem>>, vector<1024x1xf32>
    %mul3A_119 = vector.broadcast %get3A_118 : vector<1024x1xf32> to vector<1024x128xf32>
    %mul3A_120 = arith.mulf %get3A_8, %mul3A_119 : vector<1024x128xf32>
    %add3A_121 = arith.addf %mul3A_115, %mul3A_120 : vector<1024x128xf32>
    %get3A_122 = arith.constant 0 : index
    %get3A_123 = arith.constant 10 : index
    %get3A_124 = vector.load %arg2[%get3A_122, %get3A_123] : memref<1024x32xf32, #tpu.memory_space<vmem>>, vector<1024x1xf32>
    %mul3A_125 = vector.broadcast %get3A_124 : vector<1024x1xf32> to vector<1024x128xf32>
    %mul3A_126 = arith.mulf %get3A_5, %mul3A_125 : vector<1024x128xf32>
    %get3A_127 = arith.constant 0 : index
    %get3A_128 = arith.constant 26 : index
    %get3A_129 = vector.load %arg2[%get3A_127, %get3A_128] : memref<1024x32xf32, #tpu.memory_space<vmem>>, vector<1024x1xf32>
    %mul3A_130 = vector.broadcast %get3A_129 : vector<1024x1xf32> to vector<1024x128xf32>
    %mul3A_131 = arith.mulf %get3A_8, %mul3A_130 : vector<1024x128xf32>
    %add3A_132 = arith.addf %mul3A_126, %mul3A_131 : vector<1024x128xf32>
    %get3A_133 = arith.constant 0 : index
    %get3A_134 = arith.constant 11 : index
    %get3A_135 = vector.load %arg2[%get3A_133, %get3A_134] : memref<1024x32xf32, #tpu.memory_space<vmem>>, vector<1024x1xf32>
    %mul3A_136 = vector.broadcast %get3A_135 : vector<1024x1xf32> to vector<1024x128xf32>
    %mul3A_137 = arith.mulf %get3A_5, %mul3A_136 : vector<1024x128xf32>
    %get3A_138 = arith.constant 0 : index
    %get3A_139 = arith.constant 27 : index
    %get3A_140 = vector.load %arg2[%get3A_138, %get3A_139] : memref<1024x32xf32, #tpu.memory_space<vmem>>, vector<1024x1xf32>
    %mul3A_141 = vector.broadcast %get3A_140 : vector<1024x1xf32> to vector<1024x128xf32>
    %mul3A_142 = arith.mulf %get3A_8, %mul3A_141 : vector<1024x128xf32>
    %add3A_143 = arith.addf %mul3A_137, %mul3A_142 : vector<1024x128xf32>
    %get3A_144 = arith.constant 0 : index
    %get3A_145 = arith.constant 12 : index
    %get3A_146 = vector.load %arg2[%get3A_144, %get3A_145] : memref<1024x32xf32, #tpu.memory_space<vmem>>, vector<1024x1xf32>
    %mul3A_147 = vector.broadcast %get3A_146 : vector<1024x1xf32> to vector<1024x128xf32>
    %mul3A_148 = arith.mulf %get3A_5, %mul3A_147 : vector<1024x128xf32>
    %get3A_149 = arith.constant 0 : index
    %get3A_150 = arith.constant 28 : index
    %get3A_151 = vector.load %arg2[%get3A_149, %get3A_150] : memref<1024x32xf32, #tpu.memory_space<vmem>>, vector<1024x1xf32>
    %mul3A_152 = vector.broadcast %get3A_151 : vector<1024x1xf32> to vector<1024x128xf32>
    %mul3A_153 = arith.mulf %get3A_8, %mul3A_152 : vector<1024x128xf32>
    %add3A_154 = arith.addf %mul3A_148, %mul3A_153 : vector<1024x128xf32>
    %get3A_155 = arith.constant 0 : index
    %get3A_156 = arith.constant 13 : index
    %get3A_157 = vector.load %arg2[%get3A_155, %get3A_156] : memref<1024x32xf32, #tpu.memory_space<vmem>>, vector<1024x1xf32>
    %mul3A_158 = vector.broadcast %get3A_157 : vector<1024x1xf32> to vector<1024x128xf32>
    %mul3A_159 = arith.mulf %get3A_5, %mul3A_158 : vector<1024x128xf32>
    %get3A_160 = arith.constant 0 : index
    %get3A_161 = arith.constant 29 : index
    %get3A_162 = vector.load %arg2[%get3A_160, %get3A_161] : memref<1024x32xf32, #tpu.memory_space<vmem>>, vector<1024x1xf32>
    %mul3A_163 = vector.broadcast %get3A_162 : vector<1024x1xf32> to vector<1024x128xf32>
    %mul3A_164 = arith.mulf %get3A_8, %mul3A_163 : vector<1024x128xf32>
    %add3A_165 = arith.addf %mul3A_159, %mul3A_164 : vector<1024x128xf32>
    %get3A_166 = arith.constant 0 : index
    %get3A_167 = arith.constant 14 : index
    %get3A_168 = vector.load %arg2[%get3A_166, %get3A_167] : memref<1024x32xf32, #tpu.memory_space<vmem>>, vector<1024x1xf32>
    %mul3A_169 = vector.broadcast %get3A_168 : vector<1024x1xf32> to vector<1024x128xf32>
    %mul3A_170 = arith.mulf %get3A_5, %mul3A_169 : vector<1024x128xf32>
    %get3A_171 = arith.constant 0 : index
    %get3A_172 = arith.constant 30 : index
    %get3A_173 = vector.load %arg2[%get3A_171, %get3A_172] : memref<1024x32xf32, #tpu.memory_space<vmem>>, vector<1024x1xf32>
    %mul3A_174 = vector.broadcast %get3A_173 : vector<1024x1xf32> to vector<1024x128xf32>
    %mul3A_175 = arith.mulf %get3A_8, %mul3A_174 : vector<1024x128xf32>
    %add3A_176 = arith.addf %mul3A_170, %mul3A_175 : vector<1024x128xf32>
    %get3A_177 = arith.constant 0 : index
    %get3A_178 = arith.constant 15 : index
    %get3A_179 = vector.load %arg2[%get3A_177, %get3A_178] : memref<1024x32xf32, #tpu.memory_space<vmem>>, vector<1024x1xf32>
    %mul3A_180 = vector.broadcast %get3A_179 : vector<1024x1xf32> to vector<1024x128xf32>
    %mul3A_181 = arith.mulf %get3A_5, %mul3A_180 : vector<1024x128xf32>
    %get3A_182 = arith.constant 0 : index
    %get3A_183 = arith.constant 31 : index
    %get3A_184 = vector.load %arg2[%get3A_182, %get3A_183] : memref<1024x32xf32, #tpu.memory_space<vmem>>, vector<1024x1xf32>
    %mul3A_185 = vector.broadcast %get3A_184 : vector<1024x1xf32> to vector<1024x128xf32>
    %mul3A_186 = arith.mulf %get3A_8, %mul3A_185 : vector<1024x128xf32>
    %add3A_187 = arith.addf %mul3A_181, %mul3A_186 : vector<1024x128xf32>
    %concatenate3A = tpu.concatenate %add3A, %add3A_33, %add3A_44, %add3A_55, %add3A_66, %add3A_77, %add3A_88, %add3A_99, %add3A_110, %add3A_121, %add3A_132, %add3A_143, %add3A_154, %add3A_165, %add3A_176, %add3A_187 in 1 : vector<1024x128xf32>, vector<1024x128xf32>, vector<1024x128xf32>, vector<1024x128xf32>, vector<1024x128xf32>, vector<1024x128xf32>, vector<1024x128xf32>, vector<1024x128xf32>, vector<1024x128xf32>, vector<1024x128xf32>, vector<1024x128xf32>, vector<1024x128xf32>, vector<1024x128xf32>, vector<1024x128xf32>, vector<1024x128xf32>, vector<1024x128xf32> -> vector<1024x2048xf32>
    %dot_general3A = arith.constant dense<0.000000e+00> : vector<1024x256xf32>
    %dot_general3A_188 = tpu.matmul %concatenate3A, %reshape3A, %dot_general3A {dimension_numbers = #tpu.dot_dimension_numbers<[1], [0], [0], [1], [0, 0, 1, 1], [], []>, transpose_lhs_hint = false} : vector<1024x2048xf32>, vector<2048x256xf32>, vector<1024x256xf32> -> vector<1024x256xf32>
    %swap3A = arith.constant 0 : index
    %swap3A_189 = arith.constant 0 : index
    %swap3A_190 = vector.load %arg4[%swap3A, %swap3A_189] : memref<1024x256xf32, #tpu.memory_space<vmem>>, vector<1024x256xf32>
    tpu.vector_store %arg4[%swap3A, %swap3A_189], %dot_general3A_188 {strides = array<i32>} : memref<1024x256xf32, #tpu.memory_space<vmem>>, vector<1024x256xf32>,
    return
  }
}

</mosaic_0001>

<sc_bundles>
// kernel: kernel.4.cloned.1.call-start
scs
__scs_entry_jumppad:
0x0: {  	(pc) =	sbr.rel $0x88, $3  }
0x1: {  	(tag) =	ssettag $0x0;
	lr =	simm.s32 $0x1  }
0x2: {  	[smem:$0x3F9B] =	sst lr;
	_ =	strace $0xD0000000  }
0x3: {  	_ = 	snop  }
0x4: {  	_ = 	snop  }
0x5: {  	_ = 	snop  }
0x6: {  	_ = 	snop  }
0x7: {  	_ = 	snop  }
__scs_overlays_trampoline_lowered:
0x8: {  	[smem:$0x3FAA] =	sst s0  }
0x9: {  	[smem:$0x3FAB] =	sst s1  }
0xa: {  	[smem:$0x3FAC] =	sst s2  }
0xb: {  	[smem:$0x3FAD] =	sst s3  }
0xc: {  	[smem:$0x3FAE] =	sst s4  }
0xd: {  	[smem:$0x3FAF] =	sst s5  }
0xe: {  	[smem:$0x3FB0] =	sst s6  }
0xf: {  	[smem:$0x3FB1] =	sst s7  }
0x10: {  	[smem:$0x3FB2] =	sst s8  }
0x11: {  	[smem:$0x3FB3] =	sst s9;
	s0 =	simm.s32 @!p0 $0x0  }
0x12: {  	s1 =	sld [smem:$0x3F99];
	s0 =	simm.s32 @p0 $0x1  }
0x13: {  	[smem:$0x3FB4] =	sst s0;
	s0 =	simm.s32 @!p1 $0x0  }
0x14: {  	s2 =	sld [smem:$0x3F98];
	s0 =	simm.s32 @p1 $0x1  }
0x15: {  	[smem:$0x3FB5] =	sst s0;
	s0 =	simm.s32 @!p2 $0x0  }
0x16: {  	s3 =	sld [smem:$0x3FDB];
	s0 =	simm.s32 @p2 $0x1  }
0x17: {  	s4 =	simm.s32 $0x1BF5;
	[smem:$0x3FB7] =	sst s0  }
0x18: {  	s0 =	sld [smem:$0x3F9A];
	_ =	swait.ge [sflag:s4], $0x0  }
0x19: {  	s7 =	sld [smem:$0x3F9B]  }
0x1a: {  	s8 =	sadd.s32 $0xFFFFE003, lr  }
0x1b: {  	s9 =	sadd.s32 $0xFFFFFEF7, lr;
	s5 =	simm.s32 $0xFFFFFFFF;
	p2 =	slt.u32 s8, $0xFFFFF086  }
0x1c: {  	p1 =	slt.u32 s9, $0xF7A;
	s5 =	simm.s32 @!p2 $0x0  }
0x1d: {  	s5 =	simm.s32 @p1 $0x1;
	p0 =	seq.s32 s7, s2  }
0x1e: {  	s7 =	smul.u32 @!p0 $0xF7A, s2;
	p2 =	seq.s32 @!p0 s5, $0x0  }
0x1f: {  	s9 =	smul.u32 $0xF7A, s1;
	s8 =	simm.s32 @!p0 $0x1BF5;
	p2 =	por !p2, p0  }
0x20: {  	[sflag:s8] =	ssyncset.s32 @!p0 $0xFFFFF086;
	s6 =	sadd.s32 @!p0 s3, s7;
	s7 =	simm.s32 @!p0 $0x108  }
0x21: {  	s3 =	sadd.s32 s3, s9;
	s6 =	sadd.s32 @!p0 $0x88, s6;
	s7 =	simm.s32 @p2 $0x1082  }
0x22: {  	[simem:s7], [sflag:s8] =	dma.local @!p0 [hbm:s6], $0xF7A  }
0x23: {  	s9 =	sor.u32 $0xD0000000, s2;
	s6 =	simm.s32 $0x108;
	_ =	swait.ge @!p0 [sflag:s8], $0x0  }
0x24: {  	s3 =	sadd.s32 $0x88, s3;
	s6 =	simm.s32 @!p1 $0x1082;
	[sflag:s4] =	ssyncset.s32 $0xFFFFF086  }
0x25: {  	[simem:s6], [sflag:s4] =	dma.local [hbm:s3], $0xF7A  }
0x26: {  	[smem:$0x3F9B] =	sst s1;
	(tag) =	ssettag s2;
	_ =	strace s9  }
0x27: {  	s1 =	sld [smem:$0x3FAB]  }
0x28: {  	s2 =	sld [smem:$0x3FAC]  }
0x29: {  	s4 =	sld [smem:$0x3FAE]  }
0x2a: {  	p0 =	seq.s32 s5, $0x0;
	s5 =	sld [smem:$0x3FAF]  }
0x2b: {  	s6 =	sld [smem:$0x3FB0]  }
0x2c: {  	s7 =	sld [smem:$0x3FB1]  }
0x2d: {  	s3 =	simm.s32 $0x108;
	s8 =	sld [smem:$0x3FB2]  }
0x2e: {  	s3 =	simm.s32 @!p0 $0x1082;
	s9 =	sld [smem:$0x3FB3]  }
0x2f: {  	lr =	sadd.s32 s0, s3;
	s0 =	sld [smem:$0x3FAA]  }
0x30: {  	s3 =	sld [smem:$0x3FAD]  }
0x31: {  	[smem:$0x3FB6] =	sst s10  }
0x32: {  	s10 =	sld [smem:$0x3FB4];
	_ =	sdelay $0x3  }
0x33: {  	p0 =	seq.s32 s10, $0x1;
	s10 =	sld [smem:$0x3FB6];
	_ =	sdelay $0x3  }
0x34: {  	[smem:$0x3FB6] =	sst s10  }
0x35: {  	s10 =	sld [smem:$0x3FB5];
	_ =	sdelay $0x3  }
0x36: {  	p1 =	seq.s32 s10, $0x1;
	s10 =	sld [smem:$0x3FB6];
	_ =	sdelay $0x3  }
0x37: {  	[smem:$0x3FB6] =	sst s10  }
0x38: {  	s10 =	sld [smem:$0x3FB7]  }
0x39: {  	_ = 	snop;
	(pc) =	sbr.ind lr, $3  }
0x3a: {  	_ = 	snop  }
0x3b: {  	_ = 	snop  }
0x3c: {  	p2 =	seq.s32 s10, $0x1;
	s10 =	sld [smem:$0x3FB6]  }
0x3d: {  	_ =	shalt  }
0x3e: {  	_ =	shalt  }
0x3f: {  	_ =	shalt  }
0x40: {  	_ =	shalt  }
0x41: {  	_ =	shalt  }
0x42: {  	_ =	shalt  }
0x43: {  	_ =	shalt  }
0x44: {  	_ =	shalt  }
0x45: {  	_ =	shalt  }
0x46: {  	_ =	shalt  }
0x47: {  	_ =	shalt  }
0x48: {  	_ =	shalt  }
0x49: {  	_ =	shalt  }
0x4a: {  	_ =	shalt  }
0x4b: {  	_ =	shalt  }
0x4c: {  	_ =	shalt  }
0x4d: {  	_ =	shalt  }
0x4e: {  	_ =	shalt  }
0x4f: {  	_ =	shalt  }
0x50: {  	_ =	shalt  }
0x51: {  	_ =	shalt  }
0x52: {  	_ =	shalt  }
0x53: {  	_ =	shalt  }
0x54: {  	_ =	shalt  }
0x55: {  	_ =	shalt  }
0x56: {  	_ =	shalt  }
0x57: {  	_ =	shalt  }
0x58: {  	_ =	shalt  }
0x59: {  	_ =	shalt  }
0x5a: {  	_ =	shalt  }
0x5b: {  	_ =	shalt  }
0x5c: {  	_ =	shalt  }
0x5d: {  	_ =	shalt  }
0x5e: {  	_ =	shalt  }
0x5f: {  	_ =	shalt  }
0x60: {  	_ =	shalt  }
0x61: {  	_ =	shalt  }
0x62: {  	_ =	shalt  }
0x63: {  	_ =	shalt  }
0x64: {  	_ =	shalt  }
0x65: {  	_ =	shalt  }
0x66: {  	_ =	shalt  }
0x67: {  	_ =	shalt  }
0x68: {  	_ =	shalt  }
0x69: {  	_ =	shalt  }
0x6a: {  	_ =	shalt  }
0x6b: {  	_ =	shalt  }
0x6c: {  	_ =	shalt  }
0x6d: {  	_ =	shalt  }
0x6e: {  	_ =	shalt  }
0x6f: {  	_ =	shalt  }
0x70: {  	_ =	shalt  }
0x71: {  	_ =	shalt  }
0x72: {  	_ =	shalt  }
0x73: {  	_ =	shalt  }
0x74: {  	_ =	shalt  }
0x75: {  	_ =	shalt  }
0x76: {  	_ =	shalt  }
0x77: {  	_ =	shalt  }
0x78: {  	_ =	shalt  }
0x79: {  	_ =	shalt  }
0x7a: {  	_ =	shalt  }
0x7b: {  	_ =	shalt  }
0x7c: {  	_ =	shalt  }
0x7d: {  	_ =	shalt  }
0x7e: {  	_ =	shalt  }
0x7f: {  	_ =	shalt  }
0x80: {  	_ =	shalt  }
0x81: {  	_ =	shalt  }
0x82: {  	_ =	shalt  }
0x83: {  	_ =	shalt  }
0x84: {  	_ =	shalt  }
0x85: {  	_ =	shalt  }
0x86: {  	_ =	shalt  }
0x87: {  	_ =	shalt  }
.Lfunc_end0:
.L_simem_size_0:
called_computation_lowered:
.L_overlay_start_0:
0x88: {  	s2 =	sld [smem:$0x3FD9]  }
0x89: {  	s3 =	sld [smem:$0x3FFE];
	_ =	sdelay $0x1  }
0x8a: {  	s1 =	srdreg.scid  }
0x8b: {  	s0 =	sand.u32 $0x1, s1  }
0x8c: {  	s17 =	sshll.u32 s0, $0xA;
	s2 =	sadd.s32 s3, s2  }
0x8d: {  	s2 =	sadd.s32 s2, s17  }
0x8e: {  	[smem:$0x3FC2] =	sst s2  }
0x8f: {  	_ = 	snop  }
0x90: {  	s2 =	sld [smem:$0x3FC4]  }
0x91: {  	s18 =	sld [smem:$0x3FD0];
	(tm) =	ssettm $0x1  }
0x92: {  	s4 =	sld [smem:$0x3FFB];
	_ =	sdelay $0x3  }
0x93: {  	_ =	strace s4  }
0x94: {  	s4 =	sld [smem:$0x3FFC];
	_ =	sdelay $0x3  }
0x95: {  	_ =	strace s4  }
0x96: {  	s4 =	sld [smem:$0x3FFD];
	_ =	sdelay $0x3  }
0x97: {  	_ =	strace s4  }
0x98: {  	_ =	strace $0x8FFFFFFF  }
0x99: {  	s19 =	sld [smem:$0x3FDB];
	_ =	sdelay $0x1  }
0x9a: {  	s5 =	simm.s32 $_scs_section_size  }
0x9b: {  	s6 =	simm.s32 $_size__tile_overlayer_lowered;
	s7 =	simm.s32 $_tile_overlayer_lowered  }
0x9c: {  	s22 =	simm.s32 $0x1BFF;
	s21 =	sshll.u32 s7, $0x1;
	s4 =	sadd.s32 s5, s19  }
0x9d: {  	s8 =	simm.s32 $0x0;
	s20 =	sshll.u32 s6, $0x1;
	s6 =	sadd.s32 s21, s4  }
0x9e: {  	[timem:s8], [sflag:s22] =	dma.local [hbm:s6], s20  }
0x9f: {  	_ =	swait.ge [sflag:s22], s20  }
0xa0: {  	s5 =	ssub.s32 $0x0, s20;
	[sflag:s22] =	ssyncset.done $0x0  }
0xa1: {  	[sflag:s22] =	ssyncadd.s32 s5;
	_ =	sdelay $0x1  }
0xa2: {  	s23 =	simm.s32 $0x1B8B  }
0xa3: {  	_ =	swait.ge [sflag:s23], $0x1  }
0xa4: {  	[sflag:s23] =	ssyncset.done $0x0  }
0xa5: {  	s25 =	simm.s32 $0x1B8E;
	s24 =	sld [smem:$0x3FFE];
	[sflag:s23] =	ssyncadd.s32 $0xFFFFFFFF  }
0xa6: {  	s26 =	simm.s32 $execute0_lowered;
	[smem:$0x3FD2] =	sst s25  }
0xa7: {  	s6 =	sshll.u32 s26, $0x1;
	_ =	strace $0x80000046;
	[dreg:$0x1] =	wrdreg $0xFFFFFFFF  }
0xa8: {  	s28 =	simm.s32 $_size_execute0_lowered;
	s4 =	sadd.s32 s4, s6;
	[dreg:$0x0] =	wrdreg $0x0  }
0xa9: {  	s6 =	sshll.u32 s28, $0x1;
	[dreg:$0x2] =	wrdreg s4  }
0xaa: {  	[dreg:$0x3] =	wrdreg s6  }
0xab: {  	[dreg:$0x4] =	wrdreg $0xC0  }
0xac: {  	_ =	task [dreg:s8], $0x5FFFF  }
0xad: {  	[dreg:$0x1] =	wrdreg $0xFFFFFFFF  }
0xae: {  	[dreg:$0x0] =	wrdreg $0x60  }
0xaf: {  	[dreg:$0x2] =	wrdreg s18  }
0xb0: {  	[dreg:$0x3] =	wrdreg s2  }
0xb1: {  	[dreg:$0x4] =	wrdreg s24  }
0xb2: {  	[dreg:$0x5] =	wrdreg $0x9  }
0xb3: {  	_ =	task.clear_ibuf [dreg:s8], $0x6FFFF;
	_ =	strace $0x90000046  }
0xb4: {  	s29 =	simm.s32 $0x9;
	_ =	strace $0x80000048  }
0xb5: {  	_ =	swait.ge [sflag:s29], $0x1  }
0xb6: {  	[sflag:s29] =	ssyncadd.s32 $0xFFFFFFFF  }
0xb7: {  	_ =	strace $0x90000048  }
0xb8: {  	_ =	sfence  }
0xb9: {  	s30 =	sld [smem:$0x0];
	_ =	sdelay $0x2  }
0xba: {  	s31 =	sshll.u32 s1, $0xD;
	s1 =	sshrl.u32 s1, $0x2  }
0xbb: {  	s3 =	sand.u32 $0x4000, s31;
	s1 =	sadd.s32 s1, s30  }
0xbc: {  	s0 =	sor.u32 s3, s0;
	s1 =	sshll.u32 s1, $0x11  }
0xbd: {  	s0 =	sor.u32 s1, s0  }
0xbe: {  	s0 =	sadd.s32 $0x8F2B, s0  }
0xbf: {  	[sflag:s0] =	ssyncadd.remote.s32 $0x1  }
0xc0: {  	_ =	sfence.sel $0xFFFF  }
0xc1: {  	[dreg:$0x0] =	wrdreg $0xFFFFFFFF;
	(pc) =	sbr.abs _section_cstart, $3  }
0xc2: {  	[dreg:$0x1] =	wrdreg $0xFFFFFFFF  }
0xc3: {  	_ =	task.clear_ibuf [dreg:s8], $0x2FFFF;
	_ =	strace $0x9FFFFFFF  }
0xc4: {  	(tm) =	ssettm $0x7FFFFFFF  }
0xc5: {  	_ =	shalt  }
tec
execute0_lowered:
.L_overlay_start_1:
0x0: {  	(tag) =	ssettag $0x1  }
0x1: {  	s4 =	rddreg [dreg:$0x0]  }
0x2: {  	s2 =	rddreg [dreg:$0x1]  }
0x3: {  	s5 =	rddreg [dreg:$0x2];
	s3 =	srdreg.scid  }
0x4: {  	s0 =	rddreg [dreg:$0x3];
	s1 =	stileid.u32;
	s10 =	simm.s32 $0x880  }
0x5: {  	s11 =	simm.s32 $0x1080;
	s12 =	simm.s32 $0x1880;
	s13 =	simm.s32 $0x2080  }
0x6: {  	s14 =	simm.s32 $0x2880;
	s15 =	simm.s32 $0x3080;
	s16 =	simm.s32 $0x3880  }
0x7: {  	s17 =	simm.s32 $0x1;
	s18 =	simm.s32 $0x2;
	s6 =	sand.u32 $0x1, s3  }
0x8: {  	s3 =	simm.s32 $0x0;
	s7 =	sshll.u32 s1, $0x7;
	s8 =	sshll.u32 s6, $0x6  }
0x9: {  	[smem:$0x7FF] =	sst s3;
	s6 =	ssub.s32 $0x2, s6;
	s7 =	sor.u32 s8, s7  }
0xa: {  	_ =	strace $0x80000047;
	s9 =	sshrl.u32 s6, $0x1;
	s8 =	sshll.u32 s7, $0x5  }
0xb: {  	v2 =	vlaneseq.u32;
	s9 =	ssub.s32 s6, s9;
	s31 =	sshrl.u32 s7, $0x3;
	s8 =	sadd.s32 s8, s5  }
0xc: {  	vm0 =	vmmov $0xffff;
	v1 =	vshrl.u32 v2, $0x3;
	s4 =	sadd.s32 s4, s31;
	s7 =	smax.u32 s9, $0x1;
	s9 =	simm.s32 $0x80  }
0xd: {  	v0 =	vand.u32 $0x7, v2;
	v2 =	vor.u32 $0x8, v2;
	v1 =	vmul.u32 $0x8, v1;
	s5 =	sadd.s32 $0xC00, s8;
	s6 =	sadd.s32 $0x1000, s8;
	s8 =	simm.s32 $0x3  }
.LBB2_1:
0xe: {  	[tilespmem:s3], [sflag:$0x3] =	stream.linear.gather [hbm4b:s4+s3], $0x40, $0x38;
	[tilespmem:$0x4080] =	vst v63  }
0xf: {  	_ =	swait.ge [sflag:s8], $0x40  }
0x10: {  	[sflag:s8] =	ssyncset.done $0x0  }
0x11: {  	[sflag:s8] =	ssyncadd.s32 $0xFFFFFFC0  }
0x12: {  	v3 =	vld [tilespmem:$0x0];
	_ =	sdelay $0x4  }
0x13: {  	v4 =	vshll.u32 v3, $0x1  }
0x14: {  	v3 =	vand.u32 $0x7, v3;
	v4 =	vand.u32 $0xFFFFFFF0, v4  }
0x15: {  	v3 =	vor.u32 v3, v4  }
0x16: {  	v4 =	vperm.xlane v3, v0;
	_ =	sdelay $0x1  }
0x17: {  	v3 =	vperm.xlane v3, v2;
	v4 =	vadd.s32 v1, v4;
	_ =	sdelay $0x1  }
0x18: {  	v3 =	vadd.s32 v1, v3;
	_ =	sdelay $0x2  }
0x19: {  	[tilespmem:s9], [sflag:$0x1] =	stream.indirect_vreg.gather [hbm4b:s2+s3], $0x80, v4, vm0, $0xb8;
	[tilespmem:$0x4080] =	vst v63  }
0x1a: {  	_ = 	snop  }
0x1b: {  	[tilespmem:s10], [sflag:$0x1] =	stream.indirect_vreg.gather [hbm4b:s2+s3], $0x80, v3, vm0, $0xb8;
	[tilespmem:$0x4080] =	vst v63  }
0x1c: {  	v3 =	vld [tilespmem:$0x10];
	_ =	sdelay $0x4  }
0x1d: {  	v61 =	vshll.u32 v3, $0x1  }
0x1e: {  	v3 =	vand.u32 $0x7, v3;
	v4 =	vand.u32 $0xFFFFFFF0, v61  }
0x1f: {  	v3 =	vor.u32 v3, v4  }
0x20: {  	v4 =	vperm.xlane v3, v0;
	_ =	sdelay $0x1  }
0x21: {  	v3 =	vperm.xlane v3, v2;
	v4 =	vadd.s32 v1, v4;
	_ =	sdelay $0x1  }
0x22: {  	v3 =	vadd.s32 v1, v3;
	_ =	sdelay $0x2  }
0x23: {  	[tilespmem:s11], [sflag:$0x1] =	stream.indirect_vreg.gather [hbm4b:s2+s3], $0x80, v4, vm0, $0xb8;
	[tilespmem:$0x4080] =	vst v63  }
0x24: {  	_ = 	snop  }
0x25: {  	[tilespmem:s12], [sflag:$0x1] =	stream.indirect_vreg.gather [hbm4b:s2+s3], $0x80, v3, vm0, $0xb8;
	[tilespmem:$0x4080] =	vst v63  }
0x26: {  	v3 =	vld [tilespmem:$0x20];
	_ =	sdelay $0x4  }
0x27: {  	v62 =	vshll.u32 v3, $0x1  }
0x28: {  	v3 =	vand.u32 $0x7, v3;
	v4 =	vand.u32 $0xFFFFFFF0, v62  }
0x29: {  	v3 =	vor.u32 v3, v4  }
0x2a: {  	v4 =	vperm.xlane v3, v0;
	_ =	sdelay $0x1  }
0x2b: {  	v3 =	vperm.xlane v3, v2;
	v4 =	vadd.s32 v1, v4;
	_ =	sdelay $0x1  }
0x2c: {  	v3 =	vadd.s32 v1, v3;
	_ =	sdelay $0x2  }
0x2d: {  	[tilespmem:s13], [sflag:$0x1] =	stream.indirect_vreg.gather [hbm4b:s2+s3], $0x80, v4, vm0, $0xb8;
	[tilespmem:$0x4080] =	vst v63  }
0x2e: {  	_ = 	snop  }
0x2f: {  	[tilespmem:s14], [sflag:$0x1] =	stream.indirect_vreg.gather [hbm4b:s2+s3], $0x80, v3, vm0, $0xb8;
	[tilespmem:$0x4080] =	vst v63  }
0x30: {  	v3 =	vld [tilespmem:$0x30];
	_ =	sdelay $0x4  }
0x31: {  	v63 =	vshll.u32 v3, $0x1  }
0x32: {  	v3 =	vand.u32 $0x7, v3;
	v4 =	vand.u32 $0xFFFFFFF0, v63  }
0x33: {  	v3 =	vor.u32 v3, v4  }
0x34: {  	v4 =	vperm.xlane v3, v0;
	_ =	sdelay $0x1  }
0x35: {  	v3 =	vperm.xlane v3, v2;
	v4 =	vadd.s32 v1, v4;
	_ =	sdelay $0x1  }
0x36: {  	v3 =	vadd.s32 v1, v3;
	_ =	sdelay $0x2  }
0x37: {  	[tilespmem:s15], [sflag:$0x1] =	stream.indirect_vreg.gather [hbm4b:s2+s3], $0x80, v4, vm0, $0xb8;
	[tilespmem:$0x4080] =	vst v63  }
0x38: {  	_ = 	snop  }
0x39: {  	[tilespmem:s16], [sflag:$0x1] =	stream.indirect_vreg.gather [hbm4b:s2+s3], $0x80, v3, vm0, $0xb8;
	[tilespmem:$0x4080] =	vst v63  }
0x3a: {  	_ =	swait.ge [sflag:s17], $0x2000  }
0x3b: {  	[sflag:s17] =	ssyncset.done $0x0  }
0x3c: {  	[sflag:s17] =	ssyncadd.s32 $0xFFFFE000  }
0x3d: {  	[hbm4b:s5+s3] =	stream.linear.scatter [tilespmem:s9], [sflag:$0x2], $0x2000, $0x38;
	[tilespmem:$0x4080] =	vst v63  }
0x3e: {  	_ =	swait.ge [sflag:s17], $0x2000  }
0x3f: {  	[sflag:s17] =	ssyncset.done $0x0  }
0x40: {  	[sflag:s17] =	ssyncadd.s32 $0xFFFFE000  }
0x41: {  	[hbm4b:s6+s3] =	stream.linear.scatter [tilespmem:s13], [sflag:$0x2], $0x2000, $0x38;
	[tilespmem:$0x4080] =	vst v63  }
0x42: {  	p0 =	sne.s32 s7, $0x1;
	_ =	swait.ge [sflag:s18], $0x2000  }
.Ltmp0:
0x43: {  	[sflag:s18] =	ssyncset.done $0x0;
	(pc) =	sbr.rel @p0 .LBB2_1-.Ltmp0, $4  }
0x44: {  	[sflag:s18] =	ssyncadd.s32 $0xFFFFE000  }
0x45: {  	_ =	swait.ge [sflag:s18], $0x2000  }
0x46: {  	[sflag:s18] =	ssyncset.done $0x0  }
0x47: {  	s7 =	sadd.s32 $0xFFFFFFFF, s7;
	[sflag:s18] =	ssyncadd.s32 $0xFFFFE000  }
0x48: {  	_ =	sfence.sel $0x180000  }
0x49: {  	[bflag:$0x0] =	sbarrier.arrive $0xFFFF  }
0x4a: {  	p0 =	sne.s32 s1, $0x0;
	_ =	strace $0x90000047  }
0x4b: {  	s0 =	sadd.s32 @!p0 $0x100000, s0;
	[bflag:$0x2] =	sbarrier.arrive $0xFFFF  }
0x4c: {  	[sflag:s0] =	ssyncadd.tile.s32 @!p0 $0x1;
	_ =	shalt  }
.Lfunc_end2:
_tile_overlayer_lowered:
.L_overlay_start_2:
0x4d: {  	(tag) =	ssettag $0x2  }
0x4e: {  	s0 =	rddreg [dreg:$0x0];
	s2 =	stileid.u32  }
0x4f: {  	s1 =	rddreg [dreg:$0x1];
	p0 =	sne.s32 s2, $0x0  }
0x50: {  	s3 =	rddreg [dreg:$0x2];
	[bflag:$0x3] =	sbarrier.arrive $0xFFFF;
	s2 =	simm.s32 @!p0 $0x1C03  }
0x51: {  	[timem:s3], [sflag:s2] =	dma.local @!p0 [hbm:s0], s1  }
0x52: {  	s0 =	simm.s32 @!p0 $0x3  }
0x53: {  	_ =	swait.ge @!p0 [sflag:s0], s1  }
0x54: {  	s1 =	ssub.s32 @!p0 $0x0, s1;
	[sflag:s0] =	ssyncset.done @!p0 $0x0  }
0x55: {  	[sflag:s0] =	ssyncadd.s32 @!p0 s1  }
0x56: {  	[bflag:$0x3] =	sbarrier.arrive $0xFFFF  }
0x57: {  	_ =	shalt  }

</sc_bundles>
